<compile_context>
chip_gen: v7x
topology: tpu7x:2x2x1
jax: 0.10.2.dev20260603
libtpu: 0.0.44.dev20260713+nightly
codegen_flags: <defaults>
</compile_context>

<pallas_src>
import functools

import jax
import jax.numpy as jnp
from jax import lax
from jax.experimental import pallas as pl
from jax.experimental.pallas import tpu as pltpu
from jax.experimental.pallas import tpu_sc as plsc

_NC = 2
_NS = 16
_NW = _NC * _NS
_GBLK = 256
_NBUF = 3
_LOOK = 2


@functools.lru_cache(maxsize=None)
def _make_gather(total_rows: int, embed: int):
    rows_blk = _GBLK
    per_w = total_rows // _NW
    nblk = per_w // rows_blk
    assert per_w * _NW == total_rows and nblk * rows_blk == per_w
    assert (nblk - 1) % _NBUF == 0

    mesh = plsc.VectorSubcoreMesh(
        core_axis_name="c", subcore_axis_name="s",
        num_cores=_NC, num_subcores=_NS)

    def body(idx_hbm, table_hbm, out_hbm, idx_v, rows_v, gsem, wsem):
        wid = lax.axis_index("s") * _NC + lax.axis_index("c")
        pltpu.sync_copy(idx_hbm.at[wid], idx_v)

        def gather_start(t, buf):
            pltpu.make_async_copy(
                table_hbm.at[idx_v.at[pl.ds(t * _GBLK, _GBLK)]], rows_v.at[buf], gsem).start()

        def gather_wait(buf):
            pltpu.make_async_copy(
                table_hbm.at[idx_v.at[pl.ds(0, _GBLK)]], rows_v.at[buf], gsem).wait()

        def wb_start(t, buf):
            pltpu.make_async_copy(
                rows_v.at[buf], out_hbm.at[wid * nblk + t], wsem).start()

        def wb_wait(buf):
            pltpu.make_async_copy(
                rows_v.at[buf], out_hbm.at[wid * nblk], wsem).wait()

        for b in range(_LOOK):
            gather_start(b, b)

        def step(t, buf):
            gather_wait(buf)
            wb_start(t, buf)

            @pl.when(t >= 1)
            def _():
                wb_wait(buf)

            @pl.when(t + _LOOK < nblk)
            def _():
                gather_start(t + _LOOK, (buf + _LOOK) % _NBUF)

        def outer(g, carry):
            for b in range(_NBUF):
                step(_NBUF * g + b, b)
            return carry

        lax.fori_loop(0, (nblk - 1) // _NBUF, outer, 0)
        step(nblk - 1, (nblk - 1) % _NBUF)
        wb_wait(0)

    return pl.kernel(
        body,
        out_type=jax.ShapeDtypeStruct(
            (_NW * nblk, _GBLK, embed), jnp.float32),
        mesh=mesh,
        scratch_types=[
            pltpu.VMEM((per_w,), jnp.int32),
            pltpu.VMEM((_NBUF, _GBLK, embed), jnp.float32),
            pltpu.SemaphoreType.DMA,
            pltpu.SemaphoreType.DMA,
        ],
    )


def kernel(x, table):
    batch, hist = x.shape
    vocab, embed = table.shape
    total = batch * hist
    idx = x.reshape(_NW, total // _NW).astype(jnp.int32)
    out = _make_gather(total, embed)(idx, table)
    return out.reshape(batch, hist, embed)

# --- scband reference (transcript-rebuilt; emitter-appended) ---
"""Pipeline reference for scband-input-50852412785426 (READ-ONLY COPY).

The authoritative reference and input builder live on the scoring server;
editing this copy changes nothing except your own understanding.
"""

import jax, jax.numpy as jnp
import numpy as np

VOCAB = 100000
EMBED = 128
MIN = 0
BATCH = 4096
HIST = 200

def setup_inputs(seed: int = 0) -> dict:
    key = jax.random.key(seed)
    k1, k2 = jax.random.split(key)
    x = jax.random.randint(k1, (BATCH, HIST), 0, VOCAB, dtype=jnp.int32)
    # learned embedding table sized per init_kwargs (val.range x config.EMBED)
    table = jax.random.normal(k2, (VOCAB, EMBED), dtype=jnp.float32)
    return {"x": x, "table": table}

def reference(x, table):
    # Input.forward (Discrete path): x = x.long(); return embed(x - min)
    idx = x.astype(jnp.int32) - MIN
    return jnp.take(table, idx, axis=0)

if __name__ == "__main__":
    import jax
    _d = setup_inputs()
    print(jax.jit(kernel)(*tuple(_d.values())))

</pallas_src>

<mosaic_0001>
#map = affine_map<(d0, d1) -> (0, 0)>
#map1 = affine_map<(d0, d1) -> (0, 0, 0)>
module attributes {stable_mosaic.version = 14 : i64} {
  func.func @body(%arg0: i32, %arg1: i32, %arg2: memref<32x25600xi32, #tpu.memory_space<hbm>>, %arg3: memref<100000x128xf32, #tpu.memory_space<hbm>>, %arg4: memref<3200x256x128xf32, #tpu.memory_space<hbm>>, %arg5: memref<25600xi32, #tpu.memory_space<vmem>>, %arg6: memref<3x256x128xf32, #tpu.memory_space<vmem>>, %arg7: memref<!tpu.dma_semaphore, #tpu.memory_space<semaphore_mem>>, %arg8: memref<!tpu.dma_semaphore, #tpu.memory_space<semaphore_mem>>) attributes {dimension_semantics = [#tpu.dimension_semantics<core_parallel>, #tpu.dimension_semantics<subcore_parallel>], iteration_bounds = array<i64: 2, 16>, scalar_prefetch = 0 : i64, scratch_operands = 4 : i64, tpu.core_type = #tpu.core_type<sc_vector_subcore>, window_params = [{transform_indices = #map}, {transform_indices = #map}, {transform_indices = #map1}]} {
    %mul3A = arith.constant 2 : i32
    %mul3A_0 = arith.muli %arg1, %mul3A : i32
    %add3A = arith.addi %mul3A_0, %arg0 : i32
    "tpu.region"() ({
      %run_scoped3A = tpu.sem_alloc : memref<!tpu.dma_semaphore, #tpu.memory_space<semaphore_mem>>
      %dma_start3A_93 = arith.constant 0 : i32
      %dma_start3A_94 = tpu.memref_slice %arg2[%add3A, %dma_start3A_93] : memref<32x25600xi32, #tpu.memory_space<hbm>> -> memref<1x25600xi32, #tpu.memory_space<hbm>>
      %dma_start3A_95 = tpu.memref_squeeze %dma_start3A_94 : memref<1x25600xi32, #tpu.memory_space<hbm>> -> memref<25600xi32, #tpu.memory_space<hbm>>
      %dma_start3A_96 = arith.constant 0 : i32
      %dma_start3A_97 = tpu.memref_slice %arg2[%add3A, %dma_start3A_96] : memref<32x25600xi32, #tpu.memory_space<hbm>> -> memref<1x25600xi32, #tpu.memory_space<hbm>>
      %dma_start3A_98 = tpu.memref_squeeze %dma_start3A_97 : memref<1x25600xi32, #tpu.memory_space<hbm>> -> memref<25600xi32, #tpu.memory_space<hbm>>
      tpu.enqueue_dma source(%dma_start3A_98 : memref<25600xi32, #tpu.memory_space<hbm>>) target(%arg5 : memref<25600xi32, #tpu.memory_space<vmem>>) target_semaphore(%run_scoped3A : memref<!tpu.dma_semaphore, #tpu.memory_space<semaphore_mem>>)
      %dma_wait3A_99 = arith.constant 0 : i32
      %dma_wait3A_100 = tpu.memref_slice %arg2[%add3A, %dma_wait3A_99] : memref<32x25600xi32, #tpu.memory_space<hbm>> -> memref<1x25600xi32, #tpu.memory_space<hbm>>
      %dma_wait3A_101 = tpu.memref_squeeze %dma_wait3A_100 : memref<1x25600xi32, #tpu.memory_space<hbm>> -> memref<25600xi32, #tpu.memory_space<hbm>>
      %dma_wait3A_102 = arith.constant 0 : i32
      %dma_wait3A_103 = tpu.memref_slice %arg2[%add3A, %dma_wait3A_102] : memref<32x25600xi32, #tpu.memory_space<hbm>> -> memref<1x25600xi32, #tpu.memory_space<hbm>>
      %dma_wait3A_104 = tpu.memref_squeeze %dma_wait3A_103 : memref<1x25600xi32, #tpu.memory_space<hbm>> -> memref<25600xi32, #tpu.memory_space<hbm>>
      tpu.wait_dma2 semaphore(%run_scoped3A : memref<!tpu.dma_semaphore, #tpu.memory_space<semaphore_mem>>) src(%dma_wait3A_104 : memref<25600xi32, #tpu.memory_space<hbm>>) dst(%arg5 : memref<25600xi32, #tpu.memory_space<vmem>>)
      tpu.yield
    }) : () -> ()
    %dma_start3A = arith.constant 0 : i32
    %dma_start3A_1 = arith.constant 0 : i32
    %dma_start3A_2 = arith.constant 0 : i32
    %dma_start3A_3 = tpu.memref_slice %arg6[%dma_start3A, %dma_start3A_1, %dma_start3A_2] : memref<3x256x128xf32, #tpu.memory_space<vmem>> -> memref<1x256x128xf32, #tpu.memory_space<vmem>>
    %dma_start3A_4 = tpu.memref_squeeze %dma_start3A_3 : memref<1x256x128xf32, #tpu.memory_space<vmem>> -> memref<256x128xf32, #tpu.memory_space<vmem>>
    %dma_start3A_5 = arith.constant 0 : i32
    %dma_start3A_6 = tpu.memref_slice %arg5[%dma_start3A_5] : memref<25600xi32, #tpu.memory_space<vmem>> -> memref<256xi32, #tpu.memory_space<vmem>>
    %dma_start3A_7 = arith.constant 0 : i32
    %dma_start3A_8 = arith.constant 0 : i32
    %dma_start3A_9 = tpu.memref_slice %arg3[%dma_start3A_7, %dma_start3A_8] : memref<100000x128xf32, #tpu.memory_space<hbm>> -> memref<100000x128xf32, #tpu.memory_space<hbm>>
    tpu.enqueue_indirect_dma source(%dma_start3A_9 : memref<100000x128xf32, #tpu.memory_space<hbm>>) target(%dma_start3A_4 : memref<256x128xf32, #tpu.memory_space<vmem>>) offsets(%dma_start3A_6 : memref<256xi32, #tpu.memory_space<vmem>>) semaphore(%arg7 : memref<!tpu.dma_semaphore, #tpu.memory_space<semaphore_mem>>)
    %dma_start3A_10 = arith.constant 1 : i32
    %dma_start3A_11 = arith.constant 0 : i32
    %dma_start3A_12 = arith.constant 0 : i32
    %dma_start3A_13 = tpu.memref_slice %arg6[%dma_start3A_10, %dma_start3A_11, %dma_start3A_12] : memref<3x256x128xf32, #tpu.memory_space<vmem>> -> memref<1x256x128xf32, #tpu.memory_space<vmem>>
    %dma_start3A_14 = tpu.memref_squeeze %dma_start3A_13 : memref<1x256x128xf32, #tpu.memory_space<vmem>> -> memref<256x128xf32, #tpu.memory_space<vmem>>
    %dma_start3A_15 = arith.constant 256 : i32
    %dma_start3A_16 = tpu.memref_slice %arg5[%dma_start3A_15] : memref<25600xi32, #tpu.memory_space<vmem>> -> memref<256xi32, #tpu.memory_space<vmem>>
    %dma_start3A_17 = arith.constant 0 : i32
    %dma_start3A_18 = arith.constant 0 : i32
    %dma_start3A_19 = tpu.memref_slice %arg3[%dma_start3A_17, %dma_start3A_18] : memref<100000x128xf32, #tpu.memory_space<hbm>> -> memref<100000x128xf32, #tpu.memory_space<hbm>>
    tpu.enqueue_indirect_dma source(%dma_start3A_19 : memref<100000x128xf32, #tpu.memory_space<hbm>>) target(%dma_start3A_14 : memref<256x128xf32, #tpu.memory_space<vmem>>) offsets(%dma_start3A_16 : memref<256xi32, #tpu.memory_space<vmem>>) semaphore(%arg7 : memref<!tpu.dma_semaphore, #tpu.memory_space<semaphore_mem>>)
    %scan3A = arith.constant 0 : i32
    %scan3A_20 = arith.constant 0 : i32
    %scan3A_21 = arith.constant 33 : i32
    %scan3A_22 = arith.addi %scan3A_20, %scan3A_21 : i32
    %scan3A_23 = arith.constant 1 : i32
    scf.for %scan3A_93 = %scan3A_20 to %scan3A_22 step %scan3A_23  : i32 {
      %mul3A_94 = arith.constant 3 : i32
      %mul3A_95 = arith.muli %mul3A_94, %scan3A_93 : i32
      %add3A_96 = arith.constant 0 : i32
      %add3A_97 = arith.addi %mul3A_95, %add3A_96 : i32
      %dma_wait3A_98 = arith.constant 0 : i32
      %dma_wait3A_99 = arith.constant 0 : i32
      %dma_wait3A_100 = arith.constant 0 : i32
      %dma_wait3A_101 = tpu.memref_slice %arg6[%dma_wait3A_98, %dma_wait3A_99, %dma_wait3A_100] : memref<3x256x128xf32, #tpu.memory_space<vmem>> -> memref<1x256x128xf32, #tpu.memory_space<vmem>>
      %dma_wait3A_102 = tpu.memref_squeeze %dma_wait3A_101 : memref<1x256x128xf32, #tpu.memory_space<vmem>> -> memref<256x128xf32, #tpu.memory_space<vmem>>
      %dma_wait3A_103 = arith.constant 0 : i32
      %dma_wait3A_104 = tpu.memref_slice %arg5[%dma_wait3A_103] : memref<25600xi32, #tpu.memory_space<vmem>> -> memref<256xi32, #tpu.memory_space<vmem>>
      %dma_wait3A_105 = arith.constant 0 : i32
      %dma_wait3A_106 = arith.constant 0 : i32
      %dma_wait3A_107 = tpu.memref_slice %arg3[%dma_wait3A_105, %dma_wait3A_106] : memref<100000x128xf32, #tpu.memory_space<hbm>> -> memref<100000x128xf32, #tpu.memory_space<hbm>>
      tpu.wait_indirect_dma semaphore(%arg7 : memref<!tpu.dma_semaphore, #tpu.memory_space<semaphore_mem>>) src(%dma_wait3A_107 : memref<100000x128xf32, #tpu.memory_space<hbm>>) dst(%dma_wait3A_102 : memref<256x128xf32, #tpu.memory_space<vmem>>)
      %mul3A_108 = arith.constant 100 : i32
      %mul3A_109 = arith.muli %add3A, %mul3A_108 : i32
      %add3A_110 = arith.addi %mul3A_109, %add3A_97 : i32
      %dma_start3A_111 = arith.constant 0 : i32
      %dma_start3A_112 = arith.constant 0 : i32
      %dma_start3A_113 = arith.constant 0 : i32
      %dma_start3A_114 = tpu.memref_slice %arg6[%dma_start3A_111, %dma_start3A_112, %dma_start3A_113] : memref<3x256x128xf32, #tpu.memory_space<vmem>> -> memref<1x256x128xf32, #tpu.memory_space<vmem>>
      %dma_start3A_115 = tpu.memref_squeeze %dma_start3A_114 : memref<1x256x128xf32, #tpu.memory_space<vmem>> -> memref<256x128xf32, #tpu.memory_space<vmem>>
      %dma_start3A_116 = arith.constant 0 : i32
      %dma_start3A_117 = arith.constant 0 : i32
      %dma_start3A_118 = tpu.memref_slice %arg4[%add3A_110, %dma_start3A_116, %dma_start3A_117] : memref<3200x256x128xf32, #tpu.memory_space<hbm>> -> memref<1x256x128xf32, #tpu.memory_space<hbm>>
      %dma_start3A_119 = tpu.memref_squeeze %dma_start3A_118 : memref<1x256x128xf32, #tpu.memory_space<hbm>> -> memref<256x128xf32, #tpu.memory_space<hbm>>
      %dma_start3A_120 = arith.constant 0 : i32
      %dma_start3A_121 = arith.constant 0 : i32
      %dma_start3A_122 = tpu.memref_slice %arg4[%add3A_110, %dma_start3A_120, %dma_start3A_121] : memref<3200x256x128xf32, #tpu.memory_space<hbm>> -> memref<1x256x128xf32, #tpu.memory_space<hbm>>
      %dma_start3A_123 = tpu.memref_squeeze %dma_start3A_122 : memref<1x256x128xf32, #tpu.memory_space<hbm>> -> memref<256x128xf32, #tpu.memory_space<hbm>>
      %dma_start3A_124 = arith.constant 0 : i32
      %dma_start3A_125 = arith.constant 0 : i32
      %dma_start3A_126 = tpu.memref_slice %arg6[%dma_start3A_111, %dma_start3A_124, %dma_start3A_125] : memref<3x256x128xf32, #tpu.memory_space<vmem>> -> memref<1x256x128xf32, #tpu.memory_space<vmem>>
      %dma_start3A_127 = tpu.memref_squeeze %dma_start3A_126 : memref<1x256x128xf32, #tpu.memory_space<vmem>> -> memref<256x128xf32, #tpu.memory_space<vmem>>
      tpu.enqueue_dma source(%dma_start3A_127 : memref<256x128xf32, #tpu.memory_space<vmem>>) target(%dma_start3A_123 : memref<256x128xf32, #tpu.memory_space<hbm>>) target_semaphore(%arg8 : memref<!tpu.dma_semaphore, #tpu.memory_space<semaphore_mem>>)
      %ge3A = arith.constant 1 : i32
      %ge3A_128 = arith.cmpi sge, %add3A_97, %ge3A : i32
      %convert_element_type3A = arith.extui %ge3A_128 : i1 to i32
      %cond3A = arith.constant 0 : i32
      %cond3A_129 = arith.cmpi ne, %convert_element_type3A, %cond3A : i32
      scf.if %cond3A_129 {
        %mul3A_228 = arith.constant 100 : i32
        %mul3A_229 = arith.muli %add3A, %mul3A_228 : i32
        %dma_wait3A_230 = arith.constant 0 : i32
        %dma_wait3A_231 = arith.constant 0 : i32
        %dma_wait3A_232 = arith.constant 0 : i32
        %dma_wait3A_233 = tpu.memref_slice %arg6[%dma_wait3A_230, %dma_wait3A_231, %dma_wait3A_232] : memref<3x256x128xf32, #tpu.memory_space<vmem>> -> memref<1x256x128xf32, #tpu.memory_space<vmem>>
        %dma_wait3A_234 = tpu.memref_squeeze %dma_wait3A_233 : memref<1x256x128xf32, #tpu.memory_space<vmem>> -> memref<256x128xf32, #tpu.memory_space<vmem>>
        %dma_wait3A_235 = arith.constant 0 : i32
        %dma_wait3A_236 = arith.constant 0 : i32
        %dma_wait3A_237 = tpu.memref_slice %arg4[%mul3A_229, %dma_wait3A_235, %dma_wait3A_236] : memref<3200x256x128xf32, #tpu.memory_space<hbm>> -> memref<1x256x128xf32, #tpu.memory_space<hbm>>
        %dma_wait3A_238 = tpu.memref_squeeze %dma_wait3A_237 : memref<1x256x128xf32, #tpu.memory_space<hbm>> -> memref<256x128xf32, #tpu.memory_space<hbm>>
        %dma_wait3A_239 = arith.constant 0 : i32
        %dma_wait3A_240 = arith.constant 0 : i32
        %dma_wait3A_241 = tpu.memref_slice %arg4[%mul3A_229, %dma_wait3A_239, %dma_wait3A_240] : memref<3200x256x128xf32, #tpu.memory_space<hbm>> -> memref<1x256x128xf32, #tpu.memory_space<hbm>>
        %dma_wait3A_242 = tpu.memref_squeeze %dma_wait3A_241 : memref<1x256x128xf32, #tpu.memory_space<hbm>> -> memref<256x128xf32, #tpu.memory_space<hbm>>
        %dma_wait3A_243 = arith.constant 0 : i32
        %dma_wait3A_244 = arith.constant 0 : i32
        %dma_wait3A_245 = tpu.memref_slice %arg6[%dma_wait3A_230, %dma_wait3A_243, %dma_wait3A_244] : memref<3x256x128xf32, #tpu.memory_space<vmem>> -> memref<1x256x128xf32, #tpu.memory_space<vmem>>
        %dma_wait3A_246 = tpu.memref_squeeze %dma_wait3A_245 : memref<1x256x128xf32, #tpu.memory_space<vmem>> -> memref<256x128xf32, #tpu.memory_space<vmem>>
        tpu.wait_dma2 semaphore(%arg8 : memref<!tpu.dma_semaphore, #tpu.memory_space<semaphore_mem>>) src(%dma_wait3A_246 : memref<256x128xf32, #tpu.memory_space<vmem>>) dst(%dma_wait3A_242 : memref<256x128xf32, #tpu.memory_space<hbm>>)
      } else {
      }
      %add3A_130 = arith.constant 2 : i32
      %add3A_131 = arith.addi %add3A_97, %add3A_130 : i32
      %lt3A = arith.constant 100 : i32
      %lt3A_132 = arith.cmpi slt, %add3A_131, %lt3A : i32
      %convert_element_type3A_133 = arith.extui %lt3A_132 : i1 to i32
      %cond3A_134 = arith.constant 0 : i32
      %cond3A_135 = arith.cmpi ne, %convert_element_type3A_133, %cond3A_134 : i32
      scf.if %cond3A_135 {
        %add3A_228 = arith.constant 2 : i32
        %add3A_229 = arith.addi %add3A_97, %add3A_228 : i32
        %mul3A_230 = arith.constant 256 : i32
        %mul3A_231 = arith.muli %add3A_229, %mul3A_230 : i32
        %dma_start3A_232 = arith.constant 2 : i32
        %dma_start3A_233 = arith.constant 0 : i32
        %dma_start3A_234 = arith.constant 0 : i32
        %dma_start3A_235 = tpu.memref_slice %arg6[%dma_start3A_232, %dma_start3A_233, %dma_start3A_234] : memref<3x256x128xf32, #tpu.memory_space<vmem>> -> memref<1x256x128xf32, #tpu.memory_space<vmem>>
        %dma_start3A_236 = tpu.memref_squeeze %dma_start3A_235 : memref<1x256x128xf32, #tpu.memory_space<vmem>> -> memref<256x128xf32, #tpu.memory_space<vmem>>
        %dma_start3A_237 = tpu.memref_slice %arg5[%mul3A_231] : memref<25600xi32, #tpu.memory_space<vmem>> -> memref<256xi32, #tpu.memory_space<vmem>>
        %dma_start3A_238 = arith.constant 0 : i32
        %dma_start3A_239 = arith.constant 0 : i32
        %dma_start3A_240 = tpu.memref_slice %arg3[%dma_start3A_238, %dma_start3A_239] : memref<100000x128xf32, #tpu.memory_space<hbm>> -> memref<100000x128xf32, #tpu.memory_space<hbm>>
        tpu.enqueue_indirect_dma source(%dma_start3A_240 : memref<100000x128xf32, #tpu.memory_space<hbm>>) target(%dma_start3A_236 : memref<256x128xf32, #tpu.memory_space<vmem>>) offsets(%dma_start3A_237 : memref<256xi32, #tpu.memory_space<vmem>>) semaphore(%arg7 : memref<!tpu.dma_semaphore, #tpu.memory_space<semaphore_mem>>)
      } else {
      }
      %mul3A_136 = arith.constant 3 : i32
      %mul3A_137 = arith.muli %mul3A_136, %scan3A_93 : i32
      %add3A_138 = arith.constant 1 : i32
      %add3A_139 = arith.addi %mul3A_137, %add3A_138 : i32
      %dma_wait3A_140 = arith.constant 1 : i32
      %dma_wait3A_141 = arith.constant 0 : i32
      %dma_wait3A_142 = arith.constant 0 : i32
      %dma_wait3A_143 = tpu.memref_slice %arg6[%dma_wait3A_140, %dma_wait3A_141, %dma_wait3A_142] : memref<3x256x128xf32, #tpu.memory_space<vmem>> -> memref<1x256x128xf32, #tpu.memory_space<vmem>>
      %dma_wait3A_144 = tpu.memref_squeeze %dma_wait3A_143 : memref<1x256x128xf32, #tpu.memory_space<vmem>> -> memref<256x128xf32, #tpu.memory_space<vmem>>
      %dma_wait3A_145 = arith.constant 0 : i32
      %dma_wait3A_146 = tpu.memref_slice %arg5[%dma_wait3A_145] : memref<25600xi32, #tpu.memory_space<vmem>> -> memref<256xi32, #tpu.memory_space<vmem>>
      %dma_wait3A_147 = arith.constant 0 : i32
      %dma_wait3A_148 = arith.constant 0 : i32
      %dma_wait3A_149 = tpu.memref_slice %arg3[%dma_wait3A_147, %dma_wait3A_148] : memref<100000x128xf32, #tpu.memory_space<hbm>> -> memref<100000x128xf32, #tpu.memory_space<hbm>>
      tpu.wait_indirect_dma semaphore(%arg7 : memref<!tpu.dma_semaphore, #tpu.memory_space<semaphore_mem>>) src(%dma_wait3A_149 : memref<100000x128xf32, #tpu.memory_space<hbm>>) dst(%dma_wait3A_144 : memref<256x128xf32, #tpu.memory_space<vmem>>)
      %mul3A_150 = arith.constant 100 : i32
      %mul3A_151 = arith.muli %add3A, %mul3A_150 : i32
      %add3A_152 = arith.addi %mul3A_151, %add3A_139 : i32
      %dma_start3A_153 = arith.constant 1 : i32
      %dma_start3A_154 = arith.constant 0 : i32
      %dma_start3A_155 = arith.constant 0 : i32
      %dma_start3A_156 = tpu.memref_slice %arg6[%dma_start3A_153, %dma_start3A_154, %dma_start3A_155] : memref<3x256x128xf32, #tpu.memory_space<vmem>> -> memref<1x256x128xf32, #tpu.memory_space<vmem>>
      %dma_start3A_157 = tpu.memref_squeeze %dma_start3A_156 : memref<1x256x128xf32, #tpu.memory_space<vmem>> -> memref<256x128xf32, #tpu.memory_space<vmem>>
      %dma_start3A_158 = arith.constant 0 : i32
      %dma_start3A_159 = arith.constant 0 : i32
      %dma_start3A_160 = tpu.memref_slice %arg4[%add3A_152, %dma_start3A_158, %dma_start3A_159] : memref<3200x256x128xf32, #tpu.memory_space<hbm>> -> memref<1x256x128xf32, #tpu.memory_space<hbm>>
      %dma_start3A_161 = tpu.memref_squeeze %dma_start3A_160 : memref<1x256x128xf32, #tpu.memory_space<hbm>> -> memref<256x128xf32, #tpu.memory_space<hbm>>
      %dma_start3A_162 = arith.constant 0 : i32
      %dma_start3A_163 = arith.constant 0 : i32
      %dma_start3A_164 = tpu.memref_slice %arg4[%add3A_152, %dma_start3A_162, %dma_start3A_163] : memref<3200x256x128xf32, #tpu.memory_space<hbm>> -> memref<1x256x128xf32, #tpu.memory_space<hbm>>
      %dma_start3A_165 = tpu.memref_squeeze %dma_start3A_164 : memref<1x256x128xf32, #tpu.memory_space<hbm>> -> memref<256x128xf32, #tpu.memory_space<hbm>>
      %dma_start3A_166 = arith.constant 0 : i32
      %dma_start3A_167 = arith.constant 0 : i32
      %dma_start3A_168 = tpu.memref_slice %arg6[%dma_start3A_153, %dma_start3A_166, %dma_start3A_167] : memref<3x256x128xf32, #tpu.memory_space<vmem>> -> memref<1x256x128xf32, #tpu.memory_space<vmem>>
      %dma_start3A_169 = tpu.memref_squeeze %dma_start3A_168 : memref<1x256x128xf32, #tpu.memory_space<vmem>> -> memref<256x128xf32, #tpu.memory_space<vmem>>
      tpu.enqueue_dma source(%dma_start3A_169 : memref<256x128xf32, #tpu.memory_space<vmem>>) target(%dma_start3A_165 : memref<256x128xf32, #tpu.memory_space<hbm>>) target_semaphore(%arg8 : memref<!tpu.dma_semaphore, #tpu.memory_space<semaphore_mem>>)
      %ge3A_170 = arith.constant 1 : i32
      %ge3A_171 = arith.cmpi sge, %add3A_139, %ge3A_170 : i32
      %convert_element_type3A_172 = arith.extui %ge3A_171 : i1 to i32
      %cond3A_173 = arith.constant 0 : i32
      %cond3A_174 = arith.cmpi ne, %convert_element_type3A_172, %cond3A_173 : i32
      scf.if %cond3A_174 {
        %mul3A_228 = arith.constant 100 : i32
        %mul3A_229 = arith.muli %add3A, %mul3A_228 : i32
        %dma_wait3A_230 = arith.constant 1 : i32
        %dma_wait3A_231 = arith.constant 0 : i32
        %dma_wait3A_232 = arith.constant 0 : i32
        %dma_wait3A_233 = tpu.memref_slice %arg6[%dma_wait3A_230, %dma_wait3A_231, %dma_wait3A_232] : memref<3x256x128xf32, #tpu.memory_space<vmem>> -> memref<1x256x128xf32, #tpu.memory_space<vmem>>
        %dma_wait3A_234 = tpu.memref_squeeze %dma_wait3A_233 : memref<1x256x128xf32, #tpu.memory_space<vmem>> -> memref<256x128xf32, #tpu.memory_space<vmem>>
        %dma_wait3A_235 = arith.constant 0 : i32
        %dma_wait3A_236 = arith.constant 0 : i32
        %dma_wait3A_237 = tpu.memref_slice %arg4[%mul3A_229, %dma_wait3A_235, %dma_wait3A_236] : memref<3200x256x128xf32, #tpu.memory_space<hbm>> -> memref<1x256x128xf32, #tpu.memory_space<hbm>>
        %dma_wait3A_238 = tpu.memref_squeeze %dma_wait3A_237 : memref<1x256x128xf32, #tpu.memory_space<hbm>> -> memref<256x128xf32, #tpu.memory_space<hbm>>
        %dma_wait3A_239 = arith.constant 0 : i32
        %dma_wait3A_240 = arith.constant 0 : i32
        %dma_wait3A_241 = tpu.memref_slice %arg4[%mul3A_229, %dma_wait3A_239, %dma_wait3A_240] : memref<3200x256x128xf32, #tpu.memory_space<hbm>> -> memref<1x256x128xf32, #tpu.memory_space<hbm>>
        %dma_wait3A_242 = tpu.memref_squeeze %dma_wait3A_241 : memref<1x256x128xf32, #tpu.memory_space<hbm>> -> memref<256x128xf32, #tpu.memory_space<hbm>>
        %dma_wait3A_243 = arith.constant 0 : i32
        %dma_wait3A_244 = arith.constant 0 : i32
        %dma_wait3A_245 = tpu.memref_slice %arg6[%dma_wait3A_230, %dma_wait3A_243, %dma_wait3A_244] : memref<3x256x128xf32, #tpu.memory_space<vmem>> -> memref<1x256x128xf32, #tpu.memory_space<vmem>>
        %dma_wait3A_246 = tpu.memref_squeeze %dma_wait3A_245 : memref<1x256x128xf32, #tpu.memory_space<vmem>> -> memref<256x128xf32, #tpu.memory_space<vmem>>
        tpu.wait_dma2 semaphore(%arg8 : memref<!tpu.dma_semaphore, #tpu.memory_space<semaphore_mem>>) src(%dma_wait3A_246 : memref<256x128xf32, #tpu.memory_space<vmem>>) dst(%dma_wait3A_242 : memref<256x128xf32, #tpu.memory_space<hbm>>)
      } else {
      }
      %add3A_175 = arith.constant 2 : i32
      %add3A_176 = arith.addi %add3A_139, %add3A_175 : i32
      %lt3A_177 = arith.constant 100 : i32
      %lt3A_178 = arith.cmpi slt, %add3A_176, %lt3A_177 : i32
      %convert_element_type3A_179 = arith.extui %lt3A_178 : i1 to i32
      %cond3A_180 = arith.constant 0 : i32
      %cond3A_181 = arith.cmpi ne, %convert_element_type3A_179, %cond3A_180 : i32
      scf.if %cond3A_181 {
        %add3A_228 = arith.constant 2 : i32
        %add3A_229 = arith.addi %add3A_139, %add3A_228 : i32
        %mul3A_230 = arith.constant 256 : i32
        %mul3A_231 = arith.muli %add3A_229, %mul3A_230 : i32
        %dma_start3A_232 = arith.constant 0 : i32
        %dma_start3A_233 = arith.constant 0 : i32
        %dma_start3A_234 = arith.constant 0 : i32
        %dma_start3A_235 = tpu.memref_slice %arg6[%dma_start3A_232, %dma_start3A_233, %dma_start3A_234] : memref<3x256x128xf32, #tpu.memory_space<vmem>> -> memref<1x256x128xf32, #tpu.memory_space<vmem>>
        %dma_start3A_236 = tpu.memref_squeeze %dma_start3A_235 : memref<1x256x128xf32, #tpu.memory_space<vmem>> -> memref<256x128xf32, #tpu.memory_space<vmem>>
        %dma_start3A_237 = tpu.memref_slice %arg5[%mul3A_231] : memref<25600xi32, #tpu.memory_space<vmem>> -> memref<256xi32, #tpu.memory_space<vmem>>
        %dma_start3A_238 = arith.constant 0 : i32
        %dma_start3A_239 = arith.constant 0 : i32
        %dma_start3A_240 = tpu.memref_slice %arg3[%dma_start3A_238, %dma_start3A_239] : memref<100000x128xf32, #tpu.memory_space<hbm>> -> memref<100000x128xf32, #tpu.memory_space<hbm>>
        tpu.enqueue_indirect_dma source(%dma_start3A_240 : memref<100000x128xf32, #tpu.memory_space<hbm>>) target(%dma_start3A_236 : memref<256x128xf32, #tpu.memory_space<vmem>>) offsets(%dma_start3A_237 : memref<256xi32, #tpu.memory_space<vmem>>) semaphore(%arg7 : memref<!tpu.dma_semaphore, #tpu.memory_space<semaphore_mem>>)
      } else {
      }
      %mul3A_182 = arith.constant 3 : i32
      %mul3A_183 = arith.muli %mul3A_182, %scan3A_93 : i32
      %add3A_184 = arith.constant 2 : i32
      %add3A_185 = arith.addi %mul3A_183, %add3A_184 : i32
      %dma_wait3A_186 = arith.constant 2 : i32
      %dma_wait3A_187 = arith.constant 0 : i32
      %dma_wait3A_188 = arith.constant 0 : i32
      %dma_wait3A_189 = tpu.memref_slice %arg6[%dma_wait3A_186, %dma_wait3A_187, %dma_wait3A_188] : memref<3x256x128xf32, #tpu.memory_space<vmem>> -> memref<1x256x128xf32, #tpu.memory_space<vmem>>
      %dma_wait3A_190 = tpu.memref_squeeze %dma_wait3A_189 : memref<1x256x128xf32, #tpu.memory_space<vmem>> -> memref<256x128xf32, #tpu.memory_space<vmem>>
      %dma_wait3A_191 = arith.constant 0 : i32
      %dma_wait3A_192 = tpu.memref_slice %arg5[%dma_wait3A_191] : memref<25600xi32, #tpu.memory_space<vmem>> -> memref<256xi32, #tpu.memory_space<vmem>>
      %dma_wait3A_193 = arith.constant 0 : i32
      %dma_wait3A_194 = arith.constant 0 : i32
      %dma_wait3A_195 = tpu.memref_slice %arg3[%dma_wait3A_193, %dma_wait3A_194] : memref<100000x128xf32, #tpu.memory_space<hbm>> -> memref<100000x128xf32, #tpu.memory_space<hbm>>
      tpu.wait_indirect_dma semaphore(%arg7 : memref<!tpu.dma_semaphore, #tpu.memory_space<semaphore_mem>>) src(%dma_wait3A_195 : memref<100000x128xf32, #tpu.memory_space<hbm>>) dst(%dma_wait3A_190 : memref<256x128xf32, #tpu.memory_space<vmem>>)
      %mul3A_196 = arith.constant 100 : i32
      %mul3A_197 = arith.muli %add3A, %mul3A_196 : i32
      %add3A_198 = arith.addi %mul3A_197, %add3A_185 : i32
      %dma_start3A_199 = arith.constant 2 : i32
      %dma_start3A_200 = arith.constant 0 : i32
      %dma_start3A_201 = arith.constant 0 : i32
      %dma_start3A_202 = tpu.memref_slice %arg6[%dma_start3A_199, %dma_start3A_200, %dma_start3A_201] : memref<3x256x128xf32, #tpu.memory_space<vmem>> -> memref<1x256x128xf32, #tpu.memory_space<vmem>>
      %dma_start3A_203 = tpu.memref_squeeze %dma_start3A_202 : memref<1x256x128xf32, #tpu.memory_space<vmem>> -> memref<256x128xf32, #tpu.memory_space<vmem>>
      %dma_start3A_204 = arith.constant 0 : i32
      %dma_start3A_205 = arith.constant 0 : i32
      %dma_start3A_206 = tpu.memref_slice %arg4[%add3A_198, %dma_start3A_204, %dma_start3A_205] : memref<3200x256x128xf32, #tpu.memory_space<hbm>> -> memref<1x256x128xf32, #tpu.memory_space<hbm>>
      %dma_start3A_207 = tpu.memref_squeeze %dma_start3A_206 : memref<1x256x128xf32, #tpu.memory_space<hbm>> -> memref<256x128xf32, #tpu.memory_space<hbm>>
      %dma_start3A_208 = arith.constant 0 : i32
      %dma_start3A_209 = arith.constant 0 : i32
      %dma_start3A_210 = tpu.memref_slice %arg4[%add3A_198, %dma_start3A_208, %dma_start3A_209] : memref<3200x256x128xf32, #tpu.memory_space<hbm>> -> memref<1x256x128xf32, #tpu.memory_space<hbm>>
      %dma_start3A_211 = tpu.memref_squeeze %dma_start3A_210 : memref<1x256x128xf32, #tpu.memory_space<hbm>> -> memref<256x128xf32, #tpu.memory_space<hbm>>
      %dma_start3A_212 = arith.constant 0 : i32
      %dma_start3A_213 = arith.constant 0 : i32
      %dma_start3A_214 = tpu.memref_slice %arg6[%dma_start3A_199, %dma_start3A_212, %dma_start3A_213] : memref<3x256x128xf32, #tpu.memory_space<vmem>> -> memref<1x256x128xf32, #tpu.memory_space<vmem>>
      %dma_start3A_215 = tpu.memref_squeeze %dma_start3A_214 : memref<1x256x128xf32, #tpu.memory_space<vmem>> -> memref<256x128xf32, #tpu.memory_space<vmem>>
      tpu.enqueue_dma source(%dma_start3A_215 : memref<256x128xf32, #tpu.memory_space<vmem>>) target(%dma_start3A_211 : memref<256x128xf32, #tpu.memory_space<hbm>>) target_semaphore(%arg8 : memref<!tpu.dma_semaphore, #tpu.memory_space<semaphore_mem>>)
      %ge3A_216 = arith.constant 1 : i32
      %ge3A_217 = arith.cmpi sge, %add3A_185, %ge3A_216 : i32
      %convert_element_type3A_218 = arith.extui %ge3A_217 : i1 to i32
      %cond3A_219 = arith.constant 0 : i32
      %cond3A_220 = arith.cmpi ne, %convert_element_type3A_218, %cond3A_219 : i32
      scf.if %cond3A_220 {
        %mul3A_228 = arith.constant 100 : i32
        %mul3A_229 = arith.muli %add3A, %mul3A_228 : i32
        %dma_wait3A_230 = arith.constant 2 : i32
        %dma_wait3A_231 = arith.constant 0 : i32
        %dma_wait3A_232 = arith.constant 0 : i32
        %dma_wait3A_233 = tpu.memref_slice %arg6[%dma_wait3A_230, %dma_wait3A_231, %dma_wait3A_232] : memref<3x256x128xf32, #tpu.memory_space<vmem>> -> memref<1x256x128xf32, #tpu.memory_space<vmem>>
        %dma_wait3A_234 = tpu.memref_squeeze %dma_wait3A_233 : memref<1x256x128xf32, #tpu.memory_space<vmem>> -> memref<256x128xf32, #tpu.memory_space<vmem>>
        %dma_wait3A_235 = arith.constant 0 : i32
        %dma_wait3A_236 = arith.constant 0 : i32
        %dma_wait3A_237 = tpu.memref_slice %arg4[%mul3A_229, %dma_wait3A_235, %dma_wait3A_236] : memref<3200x256x128xf32, #tpu.memory_space<hbm>> -> memref<1x256x128xf32, #tpu.memory_space<hbm>>
        %dma_wait3A_238 = tpu.memref_squeeze %dma_wait3A_237 : memref<1x256x128xf32, #tpu.memory_space<hbm>> -> memref<256x128xf32, #tpu.memory_space<hbm>>
        %dma_wait3A_239 = arith.constant 0 : i32
        %dma_wait3A_240 = arith.constant 0 : i32
        %dma_wait3A_241 = tpu.memref_slice %arg4[%mul3A_229, %dma_wait3A_239, %dma_wait3A_240] : memref<3200x256x128xf32, #tpu.memory_space<hbm>> -> memref<1x256x128xf32, #tpu.memory_space<hbm>>
        %dma_wait3A_242 = tpu.memref_squeeze %dma_wait3A_241 : memref<1x256x128xf32, #tpu.memory_space<hbm>> -> memref<256x128xf32, #tpu.memory_space<hbm>>
        %dma_wait3A_243 = arith.constant 0 : i32
        %dma_wait3A_244 = arith.constant 0 : i32
        %dma_wait3A_245 = tpu.memref_slice %arg6[%dma_wait3A_230, %dma_wait3A_243, %dma_wait3A_244] : memref<3x256x128xf32, #tpu.memory_space<vmem>> -> memref<1x256x128xf32, #tpu.memory_space<vmem>>
        %dma_wait3A_246 = tpu.memref_squeeze %dma_wait3A_245 : memref<1x256x128xf32, #tpu.memory_space<vmem>> -> memref<256x128xf32, #tpu.memory_space<vmem>>
        tpu.wait_dma2 semaphore(%arg8 : memref<!tpu.dma_semaphore, #tpu.memory_space<semaphore_mem>>) src(%dma_wait3A_246 : memref<256x128xf32, #tpu.memory_space<vmem>>) dst(%dma_wait3A_242 : memref<256x128xf32, #tpu.memory_space<hbm>>)
      } else {
      }
      %add3A_221 = arith.constant 2 : i32
      %add3A_222 = arith.addi %add3A_185, %add3A_221 : i32
      %lt3A_223 = arith.constant 100 : i32
      %lt3A_224 = arith.cmpi slt, %add3A_222, %lt3A_223 : i32
      %convert_element_type3A_225 = arith.extui %lt3A_224 : i1 to i32
      %cond3A_226 = arith.constant 0 : i32
      %cond3A_227 = arith.cmpi ne, %convert_element_type3A_225, %cond3A_226 : i32
      scf.if %cond3A_227 {
        %add3A_228 = arith.constant 2 : i32
        %add3A_229 = arith.addi %add3A_185, %add3A_228 : i32
        %mul3A_230 = arith.constant 256 : i32
        %mul3A_231 = arith.muli %add3A_229, %mul3A_230 : i32
        %dma_start3A_232 = arith.constant 1 : i32
        %dma_start3A_233 = arith.constant 0 : i32
        %dma_start3A_234 = arith.constant 0 : i32
        %dma_start3A_235 = tpu.memref_slice %arg6[%dma_start3A_232, %dma_start3A_233, %dma_start3A_234] : memref<3x256x128xf32, #tpu.memory_space<vmem>> -> memref<1x256x128xf32, #tpu.memory_space<vmem>>
        %dma_start3A_236 = tpu.memref_squeeze %dma_start3A_235 : memref<1x256x128xf32, #tpu.memory_space<vmem>> -> memref<256x128xf32, #tpu.memory_space<vmem>>
        %dma_start3A_237 = tpu.memref_slice %arg5[%mul3A_231] : memref<25600xi32, #tpu.memory_space<vmem>> -> memref<256xi32, #tpu.memory_space<vmem>>
        %dma_start3A_238 = arith.constant 0 : i32
        %dma_start3A_239 = arith.constant 0 : i32
        %dma_start3A_240 = tpu.memref_slice %arg3[%dma_start3A_238, %dma_start3A_239] : memref<100000x128xf32, #tpu.memory_space<hbm>> -> memref<100000x128xf32, #tpu.memory_space<hbm>>
        tpu.enqueue_indirect_dma source(%dma_start3A_240 : memref<100000x128xf32, #tpu.memory_space<hbm>>) target(%dma_start3A_236 : memref<256x128xf32, #tpu.memory_space<vmem>>) offsets(%dma_start3A_237 : memref<256xi32, #tpu.memory_space<vmem>>) semaphore(%arg7 : memref<!tpu.dma_semaphore, #tpu.memory_space<semaphore_mem>>)
      } else {
      }
    }
    %scan3A_24 = arith.constant 33 : i32
    %dma_wait3A = arith.constant 0 : i32
    %dma_wait3A_25 = arith.constant 0 : i32
    %dma_wait3A_26 = arith.constant 0 : i32
    %dma_wait3A_27 = tpu.memref_slice %arg6[%dma_wait3A, %dma_wait3A_25, %dma_wait3A_26] : memref<3x256x128xf32, #tpu.memory_space<vmem>> -> memref<1x256x128xf32, #tpu.memory_space<vmem>>
    %dma_wait3A_28 = tpu.memref_squeeze %dma_wait3A_27 : memref<1x256x128xf32, #tpu.memory_space<vmem>> -> memref<256x128xf32, #tpu.memory_space<vmem>>
    %dma_wait3A_29 = arith.constant 0 : i32
    %dma_wait3A_30 = tpu.memref_slice %arg5[%dma_wait3A_29] : memref<25600xi32, #tpu.memory_space<vmem>> -> memref<256xi32, #tpu.memory_space<vmem>>
    %dma_wait3A_31 = arith.constant 0 : i32
    %dma_wait3A_32 = arith.constant 0 : i32
    %dma_wait3A_33 = tpu.memref_slice %arg3[%dma_wait3A_31, %dma_wait3A_32] : memref<100000x128xf32, #tpu.memory_space<hbm>> -> memref<100000x128xf32, #tpu.memory_space<hbm>>
    tpu.wait_indirect_dma semaphore(%arg7 : memref<!tpu.dma_semaphore, #tpu.memory_space<semaphore_mem>>) src(%dma_wait3A_33 : memref<100000x128xf32, #tpu.memory_space<hbm>>) dst(%dma_wait3A_28 : memref<256x128xf32, #tpu.memory_space<vmem>>)
    %mul3A_34 = arith.constant 100 : i32
    %mul3A_35 = arith.muli %add3A, %mul3A_34 : i32
    %add3A_36 = arith.constant 99 : i32
    %add3A_37 = arith.addi %mul3A_35, %add3A_36 : i32
    %dma_start3A_38 = arith.constant 0 : i32
    %dma_start3A_39 = arith.constant 0 : i32
    %dma_start3A_40 = arith.constant 0 : i32
    %dma_start3A_41 = tpu.memref_slice %arg6[%dma_start3A_38, %dma_start3A_39, %dma_start3A_40] : memref<3x256x128xf32, #tpu.memory_space<vmem>> -> memref<1x256x128xf32, #tpu.memory_space<vmem>>
    %dma_start3A_42 = tpu.memref_squeeze %dma_start3A_41 : memref<1x256x128xf32, #tpu.memory_space<vmem>> -> memref<256x128xf32, #tpu.memory_space<vmem>>
    %dma_start3A_43 = arith.constant 0 : i32
    %dma_start3A_44 = arith.constant 0 : i32
    %dma_start3A_45 = tpu.memref_slice %arg4[%add3A_37, %dma_start3A_43, %dma_start3A_44] : memref<3200x256x128xf32, #tpu.memory_space<hbm>> -> memref<1x256x128xf32, #tpu.memory_space<hbm>>
    %dma_start3A_46 = tpu.memref_squeeze %dma_start3A_45 : memref<1x256x128xf32, #tpu.memory_space<hbm>> -> memref<256x128xf32, #tpu.memory_space<hbm>>
    %dma_start3A_47 = arith.constant 0 : i32
    %dma_start3A_48 = arith.constant 0 : i32
    %dma_start3A_49 = tpu.memref_slice %arg4[%add3A_37, %dma_start3A_47, %dma_start3A_48] : memref<3200x256x128xf32, #tpu.memory_space<hbm>> -> memref<1x256x128xf32, #tpu.memory_space<hbm>>
    %dma_start3A_50 = tpu.memref_squeeze %dma_start3A_49 : memref<1x256x128xf32, #tpu.memory_space<hbm>> -> memref<256x128xf32, #tpu.memory_space<hbm>>
    %dma_start3A_51 = arith.constant 0 : i32
    %dma_start3A_52 = arith.constant 0 : i32
    %dma_start3A_53 = tpu.memref_slice %arg6[%dma_start3A_38, %dma_start3A_51, %dma_start3A_52] : memref<3x256x128xf32, #tpu.memory_space<vmem>> -> memref<1x256x128xf32, #tpu.memory_space<vmem>>
    %dma_start3A_54 = tpu.memref_squeeze %dma_start3A_53 : memref<1x256x128xf32, #tpu.memory_space<vmem>> -> memref<256x128xf32, #tpu.memory_space<vmem>>
    tpu.enqueue_dma source(%dma_start3A_54 : memref<256x128xf32, #tpu.memory_space<vmem>>) target(%dma_start3A_50 : memref<256x128xf32, #tpu.memory_space<hbm>>) target_semaphore(%arg8 : memref<!tpu.dma_semaphore, #tpu.memory_space<semaphore_mem>>)
    %mul3A_55 = arith.constant 100 : i32
    %mul3A_56 = arith.muli %add3A, %mul3A_55 : i32
    %dma_wait3A_57 = arith.constant 0 : i32
    %dma_wait3A_58 = arith.constant 0 : i32
    %dma_wait3A_59 = arith.constant 0 : i32
    %dma_wait3A_60 = tpu.memref_slice %arg6[%dma_wait3A_57, %dma_wait3A_58, %dma_wait3A_59] : memref<3x256x128xf32, #tpu.memory_space<vmem>> -> memref<1x256x128xf32, #tpu.memory_space<vmem>>
    %dma_wait3A_61 = tpu.memref_squeeze %dma_wait3A_60 : memref<1x256x128xf32, #tpu.memory_space<vmem>> -> memref<256x128xf32, #tpu.memory_space<vmem>>
    %dma_wait3A_62 = arith.constant 0 : i32
    %dma_wait3A_63 = arith.constant 0 : i32
    %dma_wait3A_64 = tpu.memref_slice %arg4[%mul3A_56, %dma_wait3A_62, %dma_wait3A_63] : memref<3200x256x128xf32, #tpu.memory_space<hbm>> -> memref<1x256x128xf32, #tpu.memory_space<hbm>>
    %dma_wait3A_65 = tpu.memref_squeeze %dma_wait3A_64 : memref<1x256x128xf32, #tpu.memory_space<hbm>> -> memref<256x128xf32, #tpu.memory_space<hbm>>
    %dma_wait3A_66 = arith.constant 0 : i32
    %dma_wait3A_67 = arith.constant 0 : i32
    %dma_wait3A_68 = tpu.memref_slice %arg4[%mul3A_56, %dma_wait3A_66, %dma_wait3A_67] : memref<3200x256x128xf32, #tpu.memory_space<hbm>> -> memref<1x256x128xf32, #tpu.memory_space<hbm>>
    %dma_wait3A_69 = tpu.memref_squeeze %dma_wait3A_68 : memref<1x256x128xf32, #tpu.memory_space<hbm>> -> memref<256x128xf32, #tpu.memory_space<hbm>>
    %dma_wait3A_70 = arith.constant 0 : i32
    %dma_wait3A_71 = arith.constant 0 : i32
    %dma_wait3A_72 = tpu.memref_slice %arg6[%dma_wait3A_57, %dma_wait3A_70, %dma_wait3A_71] : memref<3x256x128xf32, #tpu.memory_space<vmem>> -> memref<1x256x128xf32, #tpu.memory_space<vmem>>
    %dma_wait3A_73 = tpu.memref_squeeze %dma_wait3A_72 : memref<1x256x128xf32, #tpu.memory_space<vmem>> -> memref<256x128xf32, #tpu.memory_space<vmem>>
    tpu.wait_dma2 semaphore(%arg8 : memref<!tpu.dma_semaphore, #tpu.memory_space<semaphore_mem>>) src(%dma_wait3A_73 : memref<256x128xf32, #tpu.memory_space<vmem>>) dst(%dma_wait3A_69 : memref<256x128xf32, #tpu.memory_space<hbm>>)
    %mul3A_74 = arith.constant 100 : i32
    %mul3A_75 = arith.muli %add3A, %mul3A_74 : i32
    %dma_wait3A_76 = arith.constant 0 : i32
    %dma_wait3A_77 = arith.constant 0 : i32
    %dma_wait3A_78 = arith.constant 0 : i32
    %dma_wait3A_79 = tpu.memref_slice %arg6[%dma_wait3A_76, %dma_wait3A_77, %dma_wait3A_78] : memref<3x256x128xf32, #tpu.memory_space<vmem>> -> memref<1x256x128xf32, #tpu.memory_space<vmem>>
    %dma_wait3A_80 = tpu.memref_squeeze %dma_wait3A_79 : memref<1x256x128xf32, #tpu.memory_space<vmem>> -> memref<256x128xf32, #tpu.memory_space<vmem>>
    %dma_wait3A_81 = arith.constant 0 : i32
    %dma_wait3A_82 = arith.constant 0 : i32
    %dma_wait3A_83 = tpu.memref_slice %arg4[%mul3A_75, %dma_wait3A_81, %dma_wait3A_82] : memref<3200x256x128xf32, #tpu.memory_space<hbm>> -> memref<1x256x128xf32, #tpu.memory_space<hbm>>
    %dma_wait3A_84 = tpu.memref_squeeze %dma_wait3A_83 : memref<1x256x128xf32, #tpu.memory_space<hbm>> -> memref<256x128xf32, #tpu.memory_space<hbm>>
    %dma_wait3A_85 = arith.constant 0 : i32
    %dma_wait3A_86 = arith.constant 0 : i32
    %dma_wait3A_87 = tpu.memref_slice %arg4[%mul3A_75, %dma_wait3A_85, %dma_wait3A_86] : memref<3200x256x128xf32, #tpu.memory_space<hbm>> -> memref<1x256x128xf32, #tpu.memory_space<hbm>>
    %dma_wait3A_88 = tpu.memref_squeeze %dma_wait3A_87 : memref<1x256x128xf32, #tpu.memory_space<hbm>> -> memref<256x128xf32, #tpu.memory_space<hbm>>
    %dma_wait3A_89 = arith.constant 0 : i32
    %dma_wait3A_90 = arith.constant 0 : i32
    %dma_wait3A_91 = tpu.memref_slice %arg6[%dma_wait3A_76, %dma_wait3A_89, %dma_wait3A_90] : memref<3x256x128xf32, #tpu.memory_space<vmem>> -> memref<1x256x128xf32, #tpu.memory_space<vmem>>
    %dma_wait3A_92 = tpu.memref_squeeze %dma_wait3A_91 : memref<1x256x128xf32, #tpu.memory_space<vmem>> -> memref<256x128xf32, #tpu.memory_space<vmem>>
    tpu.wait_dma2 semaphore(%arg8 : memref<!tpu.dma_semaphore, #tpu.memory_space<semaphore_mem>>) src(%dma_wait3A_92 : memref<256x128xf32, #tpu.memory_space<vmem>>) dst(%dma_wait3A_88 : memref<256x128xf32, #tpu.memory_space<hbm>>)
    return
  }
}

</mosaic_0001>

<sc_bundles>
// kernel: kernel.3.cloned.1.call-start
scs
__scs_entry_jumppad:
0x0: {  	(pc) =	sbr.rel $0x88, $3  }
0x1: {  	(tag) =	ssettag $0x0;
	lr =	simm.s32 $0x1  }
0x2: {  	[smem:$0x3F9F] =	sst lr;
	_ =	strace $0xD0000000  }
0x3: {  	_ = 	snop  }
0x4: {  	_ = 	snop  }
0x5: {  	_ = 	snop  }
0x6: {  	_ = 	snop  }
0x7: {  	_ = 	snop  }
__scs_overlays_trampoline_lowered:
0x8: {  	[smem:$0x3FAE] =	sst s0  }
0x9: {  	[smem:$0x3FAF] =	sst s1  }
0xa: {  	[smem:$0x3FB0] =	sst s2  }
0xb: {  	[smem:$0x3FB1] =	sst s3  }
0xc: {  	[smem:$0x3FB2] =	sst s4  }
0xd: {  	[smem:$0x3FB3] =	sst s5  }
0xe: {  	[smem:$0x3FB4] =	sst s6  }
0xf: {  	[smem:$0x3FB5] =	sst s7  }
0x10: {  	[smem:$0x3FB6] =	sst s8  }
0x11: {  	[smem:$0x3FB7] =	sst s9;
	s0 =	simm.s32 @!p0 $0x0  }
0x12: {  	s1 =	sld [smem:$0x3F9D];
	s0 =	simm.s32 @p0 $0x1  }
0x13: {  	[smem:$0x3FB8] =	sst s0;
	s0 =	simm.s32 @!p1 $0x0  }
0x14: {  	s2 =	sld [smem:$0x3F9C];
	s0 =	simm.s32 @p1 $0x1  }
0x15: {  	[smem:$0x3FB9] =	sst s0;
	s0 =	simm.s32 @!p2 $0x0  }
0x16: {  	s3 =	sld [smem:$0x3FDB];
	s0 =	simm.s32 @p2 $0x1  }
0x17: {  	s4 =	simm.s32 $0x1BF5;
	[smem:$0x3FBB] =	sst s0  }
0x18: {  	s0 =	sld [smem:$0x3F9E];
	_ =	swait.ge [sflag:s4], $0x0  }
0x19: {  	s7 =	sld [smem:$0x3F9F]  }
0x1a: {  	s8 =	sadd.s32 $0xFFFFE003, lr  }
0x1b: {  	s9 =	sadd.s32 $0xFFFFFEF7, lr;
	s5 =	simm.s32 $0xFFFFFFFF;
	p2 =	slt.u32 s8, $0xFFFFF086  }
0x1c: {  	p1 =	slt.u32 s9, $0xF7A;
	s5 =	simm.s32 @!p2 $0x0  }
0x1d: {  	s5 =	simm.s32 @p1 $0x1;
	p0 =	seq.s32 s7, s2  }
0x1e: {  	s7 =	smul.u32 @!p0 $0xF7A, s2;
	p2 =	seq.s32 @!p0 s5, $0x0  }
0x1f: {  	s9 =	smul.u32 $0xF7A, s1;
	s8 =	simm.s32 @!p0 $0x1BF5;
	p2 =	por !p2, p0  }
0x20: {  	[sflag:s8] =	ssyncset.s32 @!p0 $0xFFFFF086;
	s6 =	sadd.s32 @!p0 s3, s7;
	s7 =	simm.s32 @!p0 $0x108  }
0x21: {  	s3 =	sadd.s32 s3, s9;
	s6 =	sadd.s32 @!p0 $0x88, s6;
	s7 =	simm.s32 @p2 $0x1082  }
0x22: {  	[simem:s7], [sflag:s8] =	dma.local @!p0 [hbm:s6], $0xF7A  }
0x23: {  	s9 =	sor.u32 $0xD0000000, s2;
	s6 =	simm.s32 $0x108;
	_ =	swait.ge @!p0 [sflag:s8], $0x0  }
0x24: {  	s3 =	sadd.s32 $0x88, s3;
	s6 =	simm.s32 @!p1 $0x1082;
	[sflag:s4] =	ssyncset.s32 $0xFFFFF086  }
0x25: {  	[simem:s6], [sflag:s4] =	dma.local [hbm:s3], $0xF7A  }
0x26: {  	[smem:$0x3F9F] =	sst s1;
	(tag) =	ssettag s2;
	_ =	strace s9  }
0x27: {  	s1 =	sld [smem:$0x3FAF]  }
0x28: {  	s2 =	sld [smem:$0x3FB0]  }
0x29: {  	s4 =	sld [smem:$0x3FB2]  }
0x2a: {  	p0 =	seq.s32 s5, $0x0;
	s5 =	sld [smem:$0x3FB3]  }
0x2b: {  	s6 =	sld [smem:$0x3FB4]  }
0x2c: {  	s7 =	sld [smem:$0x3FB5]  }
0x2d: {  	s3 =	simm.s32 $0x108;
	s8 =	sld [smem:$0x3FB6]  }
0x2e: {  	s3 =	simm.s32 @!p0 $0x1082;
	s9 =	sld [smem:$0x3FB7]  }
0x2f: {  	lr =	sadd.s32 s0, s3;
	s0 =	sld [smem:$0x3FAE]  }
0x30: {  	s3 =	sld [smem:$0x3FB1]  }
0x31: {  	[smem:$0x3FBA] =	sst s10  }
0x32: {  	s10 =	sld [smem:$0x3FB8];
	_ =	sdelay $0x3  }
0x33: {  	p0 =	seq.s32 s10, $0x1;
	s10 =	sld [smem:$0x3FBA];
	_ =	sdelay $0x3  }
0x34: {  	[smem:$0x3FBA] =	sst s10  }
0x35: {  	s10 =	sld [smem:$0x3FB9];
	_ =	sdelay $0x3  }
0x36: {  	p1 =	seq.s32 s10, $0x1;
	s10 =	sld [smem:$0x3FBA];
	_ =	sdelay $0x3  }
0x37: {  	[smem:$0x3FBA] =	sst s10  }
0x38: {  	s10 =	sld [smem:$0x3FBB]  }
0x39: {  	_ = 	snop;
	(pc) =	sbr.ind lr, $3  }
0x3a: {  	_ = 	snop  }
0x3b: {  	_ = 	snop  }
0x3c: {  	p2 =	seq.s32 s10, $0x1;
	s10 =	sld [smem:$0x3FBA]  }
0x3d: {  	_ =	shalt  }
0x3e: {  	_ =	shalt  }
0x3f: {  	_ =	shalt  }
0x40: {  	_ =	shalt  }
0x41: {  	_ =	shalt  }
0x42: {  	_ =	shalt  }
0x43: {  	_ =	shalt  }
0x44: {  	_ =	shalt  }
0x45: {  	_ =	shalt  }
0x46: {  	_ =	shalt  }
0x47: {  	_ =	shalt  }
0x48: {  	_ =	shalt  }
0x49: {  	_ =	shalt  }
0x4a: {  	_ =	shalt  }
0x4b: {  	_ =	shalt  }
0x4c: {  	_ =	shalt  }
0x4d: {  	_ =	shalt  }
0x4e: {  	_ =	shalt  }
0x4f: {  	_ =	shalt  }
0x50: {  	_ =	shalt  }
0x51: {  	_ =	shalt  }
0x52: {  	_ =	shalt  }
0x53: {  	_ =	shalt  }
0x54: {  	_ =	shalt  }
0x55: {  	_ =	shalt  }
0x56: {  	_ =	shalt  }
0x57: {  	_ =	shalt  }
0x58: {  	_ =	shalt  }
0x59: {  	_ =	shalt  }
0x5a: {  	_ =	shalt  }
0x5b: {  	_ =	shalt  }
0x5c: {  	_ =	shalt  }
0x5d: {  	_ =	shalt  }
0x5e: {  	_ =	shalt  }
0x5f: {  	_ =	shalt  }
0x60: {  	_ =	shalt  }
0x61: {  	_ =	shalt  }
0x62: {  	_ =	shalt  }
0x63: {  	_ =	shalt  }
0x64: {  	_ =	shalt  }
0x65: {  	_ =	shalt  }
0x66: {  	_ =	shalt  }
0x67: {  	_ =	shalt  }
0x68: {  	_ =	shalt  }
0x69: {  	_ =	shalt  }
0x6a: {  	_ =	shalt  }
0x6b: {  	_ =	shalt  }
0x6c: {  	_ =	shalt  }
0x6d: {  	_ =	shalt  }
0x6e: {  	_ =	shalt  }
0x6f: {  	_ =	shalt  }
0x70: {  	_ =	shalt  }
0x71: {  	_ =	shalt  }
0x72: {  	_ =	shalt  }
0x73: {  	_ =	shalt  }
0x74: {  	_ =	shalt  }
0x75: {  	_ =	shalt  }
0x76: {  	_ =	shalt  }
0x77: {  	_ =	shalt  }
0x78: {  	_ =	shalt  }
0x79: {  	_ =	shalt  }
0x7a: {  	_ =	shalt  }
0x7b: {  	_ =	shalt  }
0x7c: {  	_ =	shalt  }
0x7d: {  	_ =	shalt  }
0x7e: {  	_ =	shalt  }
0x7f: {  	_ =	shalt  }
0x80: {  	_ =	shalt  }
0x81: {  	_ =	shalt  }
0x82: {  	_ =	shalt  }
0x83: {  	_ =	shalt  }
0x84: {  	_ =	shalt  }
0x85: {  	_ =	shalt  }
0x86: {  	_ =	shalt  }
0x87: {  	_ =	shalt  }
.Lfunc_end0:
.L_simem_size_0:
called_computation_lowered:
.L_overlay_start_0:
0x88: {  	s2 =	sld [smem:$0x3FD9]  }
0x89: {  	s3 =	sld [smem:$0x3FFE];
	_ =	sdelay $0x1  }
0x8a: {  	s1 =	srdreg.scid  }
0x8b: {  	s0 =	sand.u32 $0x1, s1  }
0x8c: {  	s17 =	sshll.u32 s0, $0xA;
	s2 =	sadd.s32 s3, s2  }
0x8d: {  	s2 =	sadd.s32 s2, s17  }
0x8e: {  	[smem:$0x3FC6] =	sst s2  }
0x8f: {  	_ = 	snop  }
0x90: {  	s2 =	sld [smem:$0x3FC8]  }
0x91: {  	s18 =	sld [smem:$0x3FD0];
	(tm) =	ssettm $0x1  }
0x92: {  	s4 =	sld [smem:$0x3FFB];
	_ =	sdelay $0x3  }
0x93: {  	_ =	strace s4  }
0x94: {  	s4 =	sld [smem:$0x3FFC];
	_ =	sdelay $0x3  }
0x95: {  	_ =	strace s4  }
0x96: {  	s4 =	sld [smem:$0x3FFD];
	_ =	sdelay $0x3  }
0x97: {  	_ =	strace s4  }
0x98: {  	_ =	strace $0x8FFFFFFF  }
0x99: {  	s19 =	sld [smem:$0x3FDB];
	_ =	sdelay $0x1  }
0x9a: {  	s5 =	simm.s32 $_scs_section_size  }
0x9b: {  	s6 =	simm.s32 $_size__tile_overlayer_lowered;
	s7 =	simm.s32 $_tile_overlayer_lowered  }
0x9c: {  	s22 =	simm.s32 $0x1BFF;
	s21 =	sshll.u32 s7, $0x1;
	s4 =	sadd.s32 s5, s19  }
0x9d: {  	s8 =	simm.s32 $0x0;
	s20 =	sshll.u32 s6, $0x1;
	s6 =	sadd.s32 s21, s4  }
0x9e: {  	[timem:s8], [sflag:s22] =	dma.local [hbm:s6], s20  }
0x9f: {  	_ =	swait.ge [sflag:s22], s20  }
0xa0: {  	s5 =	ssub.s32 $0x0, s20;
	[sflag:s22] =	ssyncset.done $0x0  }
0xa1: {  	[sflag:s22] =	ssyncadd.s32 s5;
	_ =	sdelay $0x1  }
0xa2: {  	s23 =	simm.s32 $0x1B8B  }
0xa3: {  	_ =	swait.ge [sflag:s23], $0x1  }
0xa4: {  	[sflag:s23] =	ssyncset.done $0x0  }
0xa5: {  	s25 =	simm.s32 $0x1B8E;
	s24 =	sld [smem:$0x3FFE];
	[sflag:s23] =	ssyncadd.s32 $0xFFFFFFFF  }
0xa6: {  	s26 =	simm.s32 $execute0_lowered;
	[smem:$0x3FD2] =	sst s25  }
0xa7: {  	s6 =	sshll.u32 s26, $0x1;
	_ =	strace $0x80000046;
	[dreg:$0x1] =	wrdreg $0xFFFFFFFF  }
0xa8: {  	s28 =	simm.s32 $_size_execute0_lowered;
	s4 =	sadd.s32 s4, s6;
	[dreg:$0x0] =	wrdreg $0x0  }
0xa9: {  	s6 =	sshll.u32 s28, $0x1;
	[dreg:$0x2] =	wrdreg s4  }
0xaa: {  	[dreg:$0x3] =	wrdreg s6  }
0xab: {  	[dreg:$0x4] =	wrdreg $0xC0  }
0xac: {  	_ =	task [dreg:s8], $0x5FFFF  }
0xad: {  	[dreg:$0x1] =	wrdreg $0xFFFFFFFF  }
0xae: {  	[dreg:$0x0] =	wrdreg $0x60  }
0xaf: {  	[dreg:$0x2] =	wrdreg s24  }
0xb0: {  	[dreg:$0x3] =	wrdreg s2  }
0xb1: {  	[dreg:$0x4] =	wrdreg s18  }
0xb2: {  	[dreg:$0x5] =	wrdreg $0x9  }
0xb3: {  	_ =	task.clear_ibuf [dreg:s8], $0x6FFFF;
	_ =	strace $0x90000046  }
0xb4: {  	s29 =	simm.s32 $0x9;
	_ =	strace $0x80000048  }
0xb5: {  	_ =	swait.ge [sflag:s29], $0x1  }
0xb6: {  	[sflag:s29] =	ssyncadd.s32 $0xFFFFFFFF  }
0xb7: {  	_ =	strace $0x90000048  }
0xb8: {  	_ =	sfence  }
0xb9: {  	s30 =	sld [smem:$0x0];
	_ =	sdelay $0x2  }
0xba: {  	s31 =	sshll.u32 s1, $0xD;
	s1 =	sshrl.u32 s1, $0x2  }
0xbb: {  	s3 =	sand.u32 $0x4000, s31;
	s1 =	sadd.s32 s1, s30  }
0xbc: {  	s0 =	sor.u32 s3, s0;
	s1 =	sshll.u32 s1, $0x11  }
0xbd: {  	s0 =	sor.u32 s1, s0  }
0xbe: {  	s0 =	sadd.s32 $0x8F2B, s0  }
0xbf: {  	[sflag:s0] =	ssyncadd.remote.s32 $0x1  }
0xc0: {  	_ =	sfence.sel $0xFFFF  }
0xc1: {  	[dreg:$0x0] =	wrdreg $0xFFFFFFFF;
	(pc) =	sbr.abs _section_cstart, $3  }
0xc2: {  	[dreg:$0x1] =	wrdreg $0xFFFFFFFF  }
0xc3: {  	_ =	task.clear_ibuf [dreg:s8], $0x2FFFF;
	_ =	strace $0x9FFFFFFF  }
0xc4: {  	(tm) =	ssettm $0x7FFFFFFF  }
0xc5: {  	_ =	shalt  }
tec
execute0_lowered:
.L_overlay_start_1:
0x0: {  	(tag) =	ssettag $0x1  }
0x1: {  	s4 =	rddreg [dreg:$0x0]  }
0x2: {  	s1 =	srdreg.scid;
	s2 =	rddreg [dreg:$0x1]  }
0x3: {  	s0 =	stileid.u32;
	s9 =	rddreg [dreg:$0x2]  }
0x4: {  	s3 =	simm.s32 $0x0;
	s13 =	simm.s32 $0x400;
	s14 =	simm.s32 $0x3  }
0x5: {  	s15 =	simm.s32 $0x100;
	s16 =	simm.s32 $0x6400;
	s17 =	simm.s32 $0xE400  }
0x6: {  	s18 =	simm.s32 $0x1;
	s19 =	simm.s32 $0x200;
	s20 =	simm.s32 $0x16400  }
0x7: {  	s21 =	simm.s32 $0x2;
	s7 =	sand.u32 $0x1, s1;
	s11 =	smul.u32 $0xC8, s0  }
0x8: {  	s23 =	sshrl.u32 s0, $0x2;
	s1 =	rddreg [dreg:$0x3];
	s12 =	smul.u32 $0xC8000, s0  }
0x9: {  	s22 =	sshll.u32 s0, $0x1;
	[smem:$0x7FF] =	sst s3;
	s6 =	smul.u32 $0x32000, s23  }
0xa: {  	s5 =	sor.u32 s7, s22;
	_ =	strace $0x80000047;
	s29 =	smul.u32 $0x64, s7  }
0xb: {  	s25 =	ssub.s32 $0x2, s7;
	s30 =	smul.u32 $0x64000, s7;
	s22 =	simm.s32 $0x300  }
0xc: {  	s23 =	simm.s32 $0x0;
	s8 =	sshll.u32 s5, $0x7;
	s24 =	smul.u32 $0x320000, s5  }
0xd: {  	s10 =	smul.u32 $0x64000, s5;
	s26 =	sshrl.u32 s25, $0x1;
	s8 =	sand.u32 $0x380, s8  }
0xe: {  	s12 =	sadd.s32 s12, s9;
	s6 =	sor.u32 s6, s8;
	s8 =	sshrl.u32 s24, $0x3  }
0xf: {  	s7 =	sadd.s32 s9, s10;
	s6 =	sshrl.u32 s6, $0x3;
	s28 =	sadd.s32 s9, s8  }
.Ltmp0:
0x10: {  	s8 =	sadd.s32 s29, s11;
	s11 =	sadd.s32 s30, s12;
	(pc) =	sbr.rel .LBB2_1-.Ltmp0, $4  }
0x11: {  	s12 =	simm.s32 $0x80;
	s4 =	sadd.s32 s6, s4;
	s6 =	ssub.s32 s25, s26  }
0x12: {  	s5 =	sadd.s32 $0x63000, s28;
	s31 =	sshll.u32 s8, $0xC;
	s8 =	sadd.s32 $0x1000, s7  }
0x13: {  	s11 =	sadd.s32 $0x3000, s11;
	s4 =	sadd.s32 $0x400, s4;
	s10 =	sadd.s32 s9, s31  }
0x14: {  	s6 =	smax.u32 s6, $0x1;
	s9 =	sadd.s32 $0x2000, s7;
	s10 =	sadd.s32 $0x4000, s10  }
.LBB2_4:
0x15: {  	_ =	swait.ge [sflag:s18], $0x8000  }
0x16: {  	[sflag:s18] =	ssyncset.done $0x0  }
0x17: {  	s23 =	sadd.s32 $0x1, s23;
	[sflag:s18] =	ssyncadd.s32 $0xFFFF8000  }
0x18: {  	[hbm4b:s5+s3] =	stream.linear.scatter [tilespmem:s16], [sflag:$0x2], $0x8000, $0x38;
	[tilespmem:$0x1E400] =	vst v63  }
0x19: {  	p0 =	sne.s32 s23, s6;
	_ =	swait.ge [sflag:s21], $0x8000  }
.Ltmp1:
0x1a: {  	[sflag:s21] =	ssyncset.done $0x0;
	(pc) =	sbr.rel @!p0 .LBB2_5-.Ltmp1, $4  }
0x1b: {  	[sflag:s21] =	ssyncadd.s32 $0xFFFF8000  }
0x1c: {  	_ =	swait.ge [sflag:s21], $0x8000  }
0x1d: {  	[sflag:s21] =	ssyncset.done $0x0  }
0x1e: {  	[sflag:s21] =	ssyncadd.s32 $0xFFFF8000  }
.LBB2_1:
0x1f: {  	[tilespmem:s3], [sflag:$0x3] =	stream.strided.gather [hbm4b:s4+s12], $0x6400, s13, s12, $0x38;
	[tilespmem:$0x1E400] =	vst v63  }
0x20: {  	_ =	swait.ge [sflag:s14], $0x6400  }
0x21: {  	[sflag:s14] =	ssyncset.done $0x0  }
0x22: {  	[sflag:s14] =	ssyncadd.s32 $0xFFFF9C00  }
0x23: {  	[tilespmem:s16], [sflag:$0x1] =	stream.indirect.gather [hbm4b:s2+s15], $0x80, s3, s15, $0xb8;
	[tilespmem:$0x1E400] =	vst v63  }
0x24: {  	_ = 	snop  }
0x25: {  	[tilespmem:s17], [sflag:$0x1] =	stream.indirect.gather [hbm4b:s2+s15], $0x80, s15, s15, $0xb8;
	[tilespmem:$0x1E400] =	vst v63  }
0x26: {  	_ =	swait.ge [sflag:s18], $0x8000  }
0x27: {  	[sflag:s18] =	ssyncset.done $0x0  }
0x28: {  	[sflag:s18] =	ssyncadd.s32 $0xFFFF8000  }
0x29: {  	[hbm4b:s7+s3] =	stream.linear.scatter [tilespmem:s16], [sflag:$0x2], $0x8000, $0x38;
	[tilespmem:$0x1E400] =	vst v63  }
0x2a: {  	_ = 	snop  }
0x2b: {  	[tilespmem:s20], [sflag:$0x1] =	stream.indirect.gather [hbm4b:s2+s15], $0x80, s19, s15, $0xb8;
	[tilespmem:$0x1E400] =	vst v63  }
0x2c: {  	_ =	swait.ge [sflag:s18], $0x8000  }
0x2d: {  	[sflag:s18] =	ssyncset.done $0x0  }
0x2e: {  	[sflag:s18] =	ssyncadd.s32 $0xFFFF8000  }
0x2f: {  	[hbm4b:s8+s3] =	stream.linear.scatter [tilespmem:s17], [sflag:$0x2], $0x8000, $0x38;
	[tilespmem:$0x1E400] =	vst v63  }
0x30: {  	_ =	swait.ge [sflag:s21], $0x8000  }
0x31: {  	[sflag:s21] =	ssyncset.done $0x0  }
0x32: {  	[sflag:s21] =	ssyncadd.s32 $0xFFFF8000  }
0x33: {  	[tilespmem:s16], [sflag:$0x1] =	stream.indirect.gather [hbm4b:s2+s15], $0x80, s22, s15, $0xb8;
	[tilespmem:$0x1E400] =	vst v63  }
0x34: {  	_ =	swait.ge [sflag:s18], $0x8000  }
0x35: {  	[sflag:s18] =	ssyncset.done $0x0  }
0x36: {  	[sflag:s18] =	ssyncadd.s32 $0xFFFF8000  }
0x37: {  	[hbm4b:s9+s3] =	stream.linear.scatter [tilespmem:s20], [sflag:$0x2], $0x8000, $0x38;
	[tilespmem:$0x1E400] =	vst v63  }
0x38: {  	_ =	swait.ge [sflag:s21], $0x8000  }
0x39: {  	[sflag:s21] =	ssyncset.done $0x0  }
0x3a: {  	s24 =	simm.s32 $0x500;
	s25 =	simm.s32 $0x0;
	[sflag:s21] =	ssyncadd.s32 $0xFFFF8000  }
0x3b: {  	[tilespmem:s17], [sflag:$0x1] =	stream.indirect.gather [hbm4b:s2+s15], $0x80, s13, s15, $0xb8;
	[tilespmem:$0x1E400] =	vst v63  }
.LBB2_2:
0x3c: {  	_ =	swait.ge [sflag:s18], $0x8000  }
0x3d: {  	[sflag:s18] =	ssyncset.done $0x0  }
0x3e: {  	s26 =	sadd.s32 s25, s11;
	[sflag:s18] =	ssyncadd.s32 $0xFFFF8000  }
0x3f: {  	[hbm4b:s26+s3] =	stream.linear.scatter [tilespmem:s16], [sflag:$0x2], $0x8000, $0x38;
	[tilespmem:$0x1E400] =	vst v63  }
0x40: {  	_ =	swait.ge [sflag:s21], $0x8000  }
0x41: {  	[sflag:s21] =	ssyncset.done $0x0  }
0x42: {  	[sflag:s21] =	ssyncadd.s32 $0xFFFF8000  }
0x43: {  	[tilespmem:s20], [sflag:$0x1] =	stream.indirect.gather [hbm4b:s2+s15], $0x80, s24, s15, $0xb8;
	[tilespmem:$0x1E400] =	vst v63  }
0x44: {  	_ =	swait.ge [sflag:s18], $0x8000  }
0x45: {  	[sflag:s18] =	ssyncset.done $0x0  }
0x46: {  	s31 =	sadd.s32 s25, s10;
	[sflag:s18] =	ssyncadd.s32 $0xFFFF8000  }
0x47: {  	[hbm4b:s31+s3] =	stream.linear.scatter [tilespmem:s17], [sflag:$0x2], $0x8000, $0x38;
	[tilespmem:$0x1E400] =	vst v63  }
0x48: {  	_ =	swait.ge [sflag:s21], $0x8000  }
0x49: {  	[sflag:s21] =	ssyncset.done $0x0  }
0x4a: {  	s28 =	sadd.s32 $0x100, s24;
	[sflag:s21] =	ssyncadd.s32 $0xFFFF8000  }
0x4b: {  	[tilespmem:s16], [sflag:$0x1] =	stream.indirect.gather [hbm4b:s2+s15], $0x80, s28, s15, $0xb8;
	[tilespmem:$0x1E400] =	vst v63  }
0x4c: {  	_ =	swait.ge [sflag:s18], $0x8000  }
0x4d: {  	p0 =	seq.s32 s25, $0x5D000;
	[sflag:s18] =	ssyncset.done $0x0  }
.Ltmp2:
0x4e: {  	s26 =	sadd.s32 $0x1000, s31;
	[sflag:s18] =	ssyncadd.s32 $0xFFFF8000;
	(pc) =	sbr.rel @p0 .LBB2_4-.Ltmp2, $4  }
0x4f: {  	[hbm4b:s26+s3] =	stream.linear.scatter [tilespmem:s20], [sflag:$0x2], $0x8000, $0x38;
	[tilespmem:$0x1E400] =	vst v63  }
0x50: {  	_ =	swait.ge [sflag:s21], $0x8000  }
0x51: {  	[sflag:s21] =	ssyncset.done $0x0  }
0x52: {  	[sflag:s21] =	ssyncadd.s32 $0xFFFF8000  }
.Ltmp3:
0x53: {  	(pc) =	sbr.rel .LBB2_2-.Ltmp3, $3  }
0x54: {  	_ =	sdelay $0x1  }
0x55: {  	s26 =	sadd.s32 $0x200, s24;
	s25 =	sadd.s32 $0x3000, s25;
	s24 =	sadd.s32 $0x300, s24  }
0x56: {  	[tilespmem:s17], [sflag:$0x1] =	stream.indirect.gather [hbm4b:s2+s15], $0x80, s26, s15, $0xb8;
	[tilespmem:$0x1E400] =	vst v63  }
.LBB2_5:
0x57: {  	_ =	sfence.sel $0x180000  }
0x58: {  	[bflag:$0x0] =	sbarrier.arrive $0xFFFF  }
0x59: {  	p0 =	sne.s32 s0, $0x0;
	_ =	strace $0x90000047  }
0x5a: {  	s0 =	sadd.s32 @!p0 $0x100000, s1;
	[bflag:$0x2] =	sbarrier.arrive $0xFFFF  }
0x5b: {  	[sflag:s0] =	ssyncadd.tile.s32 @!p0 $0x1;
	_ =	shalt  }
.Lfunc_end2:
_tile_overlayer_lowered:
.L_overlay_start_2:
0x5c: {  	(tag) =	ssettag $0x2  }
0x5d: {  	s0 =	rddreg [dreg:$0x0];
	s2 =	stileid.u32  }
0x5e: {  	s1 =	rddreg [dreg:$0x1];
	p0 =	sne.s32 s2, $0x0  }
0x5f: {  	s3 =	rddreg [dreg:$0x2];
	[bflag:$0x3] =	sbarrier.arrive $0xFFFF;
	s2 =	simm.s32 @!p0 $0x1C03  }
0x60: {  	[timem:s3], [sflag:s2] =	dma.local @!p0 [hbm:s0], s1  }
0x61: {  	s0 =	simm.s32 @!p0 $0x3  }
0x62: {  	_ =	swait.ge @!p0 [sflag:s0], s1  }
0x63: {  	s1 =	ssub.s32 @!p0 $0x0, s1;
	[sflag:s0] =	ssyncset.done @!p0 $0x0  }
0x64: {  	[sflag:s0] =	ssyncadd.s32 @!p0 s1  }
0x65: {  	[bflag:$0x3] =	sbarrier.arrive $0xFFFF  }
0x66: {  	_ =	shalt  }

</sc_bundles>
